<compile_context>
chip_gen: v7x
topology: tpu7x:2x2x1
jax: 0.10.2.dev20260603
libtpu: 0.0.44.dev20260713+nightly
codegen_flags: <defaults>
</compile_context>

<pallas_src>
import functools

import jax
import jax.numpy as jnp
from jax import lax
from jax.experimental import pallas as pl
from jax.experimental.pallas import tpu as pltpu
from jax.experimental.pallas import tpu_sc as plsc

_INFO = plsc.get_sparse_core_info()
_NC = _INFO.num_cores
_NS = _INFO.num_subcores
_L = _INFO.num_lanes
_NW = 1 * _NS


@functools.partial(jax.jit, static_argnums=(1,))
def _table_broadcast(param_rep, B):
    chunk = B // _NW
    n_vecs = chunk // _L
    mesh = plsc.VectorSubcoreMesh(
        core_axis_name="c", subcore_axis_name="s", num_cores=1)

    @functools.partial(
        pl.kernel,
        mesh=mesh,
        out_type=(
            jax.ShapeDtypeStruct((B,), jnp.float32),
            jax.ShapeDtypeStruct((B,), jnp.float32),
        ),
        scratch_types=[
            pltpu.VMEM((2 * _L,), jnp.float32),
            pltpu.VMEM((chunk,), jnp.float32),
            pltpu.VMEM((chunk,), jnp.float32),
        ],
    )
    def k(rep_hbm, out0_hbm, out1_hbm, rep_v, buf0, buf1):
        wid = lax.axis_index("s")
        base = wid * chunk
        pltpu.sync_copy(rep_hbm, rep_v)
        vec0 = rep_v[pl.ds(0, _L)]
        vec1 = rep_v[pl.ds(_L, _L)]

        def fill(i, carry):
            buf0[pl.ds(i * _L, _L)] = vec0
            buf1[pl.ds(i * _L, _L)] = vec1
            return carry

        lax.fori_loop(0, n_vecs, fill, 0)
        pltpu.sync_copy(buf0, out0_hbm.at[pl.ds(base, chunk)])
        pltpu.sync_copy(buf1, out1_hbm.at[pl.ds(base, chunk)])

    return k(param_rep)


def kernel(x, x_pa, param):
    B = x.shape[0]
    param_rep = jnp.repeat(param, _L)
    out0, out1 = _table_broadcast(param_rep, B)
    return (out0[:, None], out1[:, None])

# --- scband reference (transcript-rebuilt; emitter-appended) ---
"""Pipeline reference for scband-param-table-17712445129393 (READ-ONLY COPY).

The authoritative reference and input builder live on the scoring server;
editing this copy changes nothing except your own understanding.
"""

import jax, jax.numpy as jnp
import numpy as np

NUM_CLASSES = 2
B = 16384

def setup_inputs(seed: int = 0) -> dict:
    key = jax.random.key(seed)
    x = jax.random.normal(jax.random.fold_in(key, 0), (B, 1), dtype=jnp.float32)
    # num_input_states == 0 -> every x_pa[i].tolist() == [] -> key '[]' -> same single param
    x_pa = jnp.zeros((B, 0), dtype=jnp.int32)
    # the single learned parameter stored under key '[]', shape [2*(num_classes-1)] = [2]
    param = jnp.zeros((2 * (NUM_CLASSES - 1),), dtype=jnp.float32)
    return {"x": x, "x_pa": x_pa, "param": param}

def reference(x, x_pa, param):
    # Original torch module: for each batch element i, look up param_dict[str(x_pa[i].tolist())]
    # and stack. With num_input_states=0, x_pa has 0 columns so every lookup hits the same
    # table row. Expressed as a gather so it maps to SparseCore-style indexed lookup.
    n = x.shape[0]
    idx = jnp.zeros((n,), dtype=jnp.int32)          # all rows index table row 0
    table = param[None, :]                          # [1, 2*(num_classes-1)]
    gathered = jnp.take(table, idx, axis=0)         # [B, 2*(num_classes-1)]
    out0 = gathered[:, : NUM_CLASSES - 1]           # [B, num_classes-1]
    out1 = gathered[:, NUM_CLASSES - 1 :]           # [B, num_classes-1]
    return (out0, out1)

if __name__ == "__main__":
    import jax
    _d = setup_inputs()
    print(jax.jit(kernel)(*tuple(_d.values())))

</pallas_src>

<mosaic_0001>
#map = affine_map<(d0, d1) -> (0)>
module attributes {stable_mosaic.version = 14 : i64} {
  func.func @k(%arg0: i32, %arg1: i32, %arg2: memref<32xf32, #tpu.memory_space<hbm>>, %arg3: memref<16384xf32, #tpu.memory_space<hbm>>, %arg4: memref<16384xf32, #tpu.memory_space<hbm>>, %arg5: memref<32xf32, #tpu.memory_space<vmem>>, %arg6: memref<1024xf32, #tpu.memory_space<vmem>>, %arg7: memref<1024xf32, #tpu.memory_space<vmem>>) attributes {dimension_semantics = [#tpu.dimension_semantics<core_parallel>, #tpu.dimension_semantics<subcore_parallel>], iteration_bounds = array<i64: 1, 16>, scalar_prefetch = 0 : i64, scratch_operands = 3 : i64, tpu.core_type = #tpu.core_type<sc_vector_subcore>, window_params = [{transform_indices = #map}, {transform_indices = #map}, {transform_indices = #map}]} {
    %mul3A = arith.constant 1024 : i32
    %mul3A_0 = arith.muli %arg1, %mul3A : i32
    "tpu.region"() ({
      %run_scoped3A = tpu.sem_alloc : memref<!tpu.dma_semaphore, #tpu.memory_space<semaphore_mem>>
      tpu.enqueue_dma source(%arg2 : memref<32xf32, #tpu.memory_space<hbm>>) target(%arg5 : memref<32xf32, #tpu.memory_space<vmem>>) target_semaphore(%run_scoped3A : memref<!tpu.dma_semaphore, #tpu.memory_space<semaphore_mem>>)
      tpu.wait_dma2 semaphore(%run_scoped3A : memref<!tpu.dma_semaphore, #tpu.memory_space<semaphore_mem>>) src(%arg2 : memref<32xf32, #tpu.memory_space<hbm>>) dst(%arg5 : memref<32xf32, #tpu.memory_space<vmem>>)
      tpu.yield
    }) : () -> ()
    %get3A = arith.constant 0 : index
    %get3A_1 = tpu.vector_load %arg5[%get3A] {strides = array<i32>} : memref<32xf32, #tpu.memory_space<vmem>>, vector<16xf32>,
    %get3A_2 = vector.shape_cast %get3A_1 : vector<16xf32> to vector<16xf32>
    %get3A_3 = arith.constant 16 : index
    %get3A_4 = tpu.vector_load %arg5[%get3A_3] {strides = array<i32>} : memref<32xf32, #tpu.memory_space<vmem>>, vector<16xf32>,
    %get3A_5 = vector.shape_cast %get3A_4 : vector<16xf32> to vector<16xf32>
    %scan3A = arith.constant 0 : i32
    %scan3A_6 = arith.constant 0 : i32
    %scan3A_7 = arith.constant 64 : i32
    %scan3A_8 = arith.addi %scan3A_6, %scan3A_7 : i32
    %scan3A_9 = arith.constant 1 : i32
    scf.for %scan3A_11 = %scan3A_6 to %scan3A_8 step %scan3A_9  : i32 {
      %mul3A_12 = arith.constant 16 : i32
      %mul3A_13 = arith.muli %scan3A_11, %mul3A_12 : i32
      %swap3A = arith.index_cast %mul3A_13 : i32 to index
      %swap3A_14 = tpu.vector_load %arg6[%swap3A] {strides = array<i32>} : memref<1024xf32, #tpu.memory_space<vmem>>, vector<16xf32>,
      %swap3A_15 = vector.shape_cast %swap3A_14 : vector<16xf32> to vector<16xf32>
      %swap3A_16 = vector.shape_cast %get3A_2 : vector<16xf32> to vector<16xf32>
      tpu.vector_store %arg6[%swap3A], %swap3A_16 {strides = array<i32>} : memref<1024xf32, #tpu.memory_space<vmem>>, vector<16xf32>,
      %mul3A_17 = arith.constant 16 : i32
      %mul3A_18 = arith.muli %scan3A_11, %mul3A_17 : i32
      %swap3A_19 = arith.index_cast %mul3A_18 : i32 to index
      %swap3A_20 = tpu.vector_load %arg7[%swap3A_19] {strides = array<i32>} : memref<1024xf32, #tpu.memory_space<vmem>>, vector<16xf32>,
      %swap3A_21 = vector.shape_cast %swap3A_20 : vector<16xf32> to vector<16xf32>
      %swap3A_22 = vector.shape_cast %get3A_5 : vector<16xf32> to vector<16xf32>
      tpu.vector_store %arg7[%swap3A_19], %swap3A_22 {strides = array<i32>} : memref<1024xf32, #tpu.memory_space<vmem>>, vector<16xf32>,
    }
    %scan3A_10 = arith.constant 64 : i32
    "tpu.region"() ({
      %run_scoped3A = tpu.sem_alloc : memref<!tpu.dma_semaphore, #tpu.memory_space<semaphore_mem>>
      %dma_start3A = tpu.memref_slice %arg3[%mul3A_0] : memref<16384xf32, #tpu.memory_space<hbm>> -> memref<1024xf32, #tpu.memory_space<hbm>>
      %dma_start3A_11 = tpu.memref_slice %arg3[%mul3A_0] : memref<16384xf32, #tpu.memory_space<hbm>> -> memref<1024xf32, #tpu.memory_space<hbm>>
      tpu.enqueue_dma source(%arg6 : memref<1024xf32, #tpu.memory_space<vmem>>) target(%dma_start3A_11 : memref<1024xf32, #tpu.memory_space<hbm>>) target_semaphore(%run_scoped3A : memref<!tpu.dma_semaphore, #tpu.memory_space<semaphore_mem>>)
      %dma_wait3A = tpu.memref_slice %arg3[%mul3A_0] : memref<16384xf32, #tpu.memory_space<hbm>> -> memref<1024xf32, #tpu.memory_space<hbm>>
      %dma_wait3A_12 = tpu.memref_slice %arg3[%mul3A_0] : memref<16384xf32, #tpu.memory_space<hbm>> -> memref<1024xf32, #tpu.memory_space<hbm>>
      tpu.wait_dma2 semaphore(%run_scoped3A : memref<!tpu.dma_semaphore, #tpu.memory_space<semaphore_mem>>) src(%arg6 : memref<1024xf32, #tpu.memory_space<vmem>>) dst(%dma_wait3A_12 : memref<1024xf32, #tpu.memory_space<hbm>>)
      tpu.yield
    }) : () -> ()
    "tpu.region"() ({
      %run_scoped3A = tpu.sem_alloc : memref<!tpu.dma_semaphore, #tpu.memory_space<semaphore_mem>>
      %dma_start3A = tpu.memref_slice %arg4[%mul3A_0] : memref<16384xf32, #tpu.memory_space<hbm>> -> memref<1024xf32, #tpu.memory_space<hbm>>
      %dma_start3A_11 = tpu.memref_slice %arg4[%mul3A_0] : memref<16384xf32, #tpu.memory_space<hbm>> -> memref<1024xf32, #tpu.memory_space<hbm>>
      tpu.enqueue_dma source(%arg7 : memref<1024xf32, #tpu.memory_space<vmem>>) target(%dma_start3A_11 : memref<1024xf32, #tpu.memory_space<hbm>>) target_semaphore(%run_scoped3A : memref<!tpu.dma_semaphore, #tpu.memory_space<semaphore_mem>>)
      %dma_wait3A = tpu.memref_slice %arg4[%mul3A_0] : memref<16384xf32, #tpu.memory_space<hbm>> -> memref<1024xf32, #tpu.memory_space<hbm>>
      %dma_wait3A_12 = tpu.memref_slice %arg4[%mul3A_0] : memref<16384xf32, #tpu.memory_space<hbm>> -> memref<1024xf32, #tpu.memory_space<hbm>>
      tpu.wait_dma2 semaphore(%run_scoped3A : memref<!tpu.dma_semaphore, #tpu.memory_space<semaphore_mem>>) src(%arg7 : memref<1024xf32, #tpu.memory_space<vmem>>) dst(%dma_wait3A_12 : memref<1024xf32, #tpu.memory_space<hbm>>)
      tpu.yield
    }) : () -> ()
    return
  }
}

</mosaic_0001>

<sc_bundles>
// kernel: _table_broadcast.3.cloned.1.call-start
scs
__scs_entry_jumppad:
0x0: {  	(pc) =	sbr.rel $0x88, $3  }
0x1: {  	(tag) =	ssettag $0x0;
	lr =	simm.s32 $0x1  }
0x2: {  	[smem:$0x3FA0] =	sst lr;
	_ =	strace $0xD0000000  }
0x3: {  	_ = 	snop  }
0x4: {  	_ = 	snop  }
0x5: {  	_ = 	snop  }
0x6: {  	_ = 	snop  }
0x7: {  	_ = 	snop  }
__scs_overlays_trampoline_lowered:
0x8: {  	[smem:$0x3FAF] =	sst s0  }
0x9: {  	[smem:$0x3FB0] =	sst s1  }
0xa: {  	[smem:$0x3FB1] =	sst s2  }
0xb: {  	[smem:$0x3FB2] =	sst s3  }
0xc: {  	[smem:$0x3FB3] =	sst s4  }
0xd: {  	[smem:$0x3FB4] =	sst s5  }
0xe: {  	[smem:$0x3FB5] =	sst s6  }
0xf: {  	[smem:$0x3FB6] =	sst s7  }
0x10: {  	[smem:$0x3FB7] =	sst s8  }
0x11: {  	[smem:$0x3FB8] =	sst s9;
	s0 =	simm.s32 @!p0 $0x0  }
0x12: {  	s1 =	sld [smem:$0x3F9E];
	s0 =	simm.s32 @p0 $0x1  }
0x13: {  	[smem:$0x3FB9] =	sst s0;
	s0 =	simm.s32 @!p1 $0x0  }
0x14: {  	s2 =	sld [smem:$0x3F9D];
	s0 =	simm.s32 @p1 $0x1  }
0x15: {  	[smem:$0x3FBA] =	sst s0;
	s0 =	simm.s32 @!p2 $0x0  }
0x16: {  	s3 =	sld [smem:$0x3FDB];
	s0 =	simm.s32 @p2 $0x1  }
0x17: {  	s4 =	simm.s32 $0x1BF5;
	[smem:$0x3FBC] =	sst s0  }
0x18: {  	s0 =	sld [smem:$0x3F9F];
	_ =	swait.ge [sflag:s4], $0x0  }
0x19: {  	s7 =	sld [smem:$0x3FA0]  }
0x1a: {  	s8 =	sadd.s32 $0xFFFFE003, lr  }
0x1b: {  	s9 =	sadd.s32 $0xFFFFFEF7, lr;
	s5 =	simm.s32 $0xFFFFFFFF;
	p2 =	slt.u32 s8, $0xFFFFF086  }
0x1c: {  	p1 =	slt.u32 s9, $0xF7A;
	s5 =	simm.s32 @!p2 $0x0  }
0x1d: {  	s5 =	simm.s32 @p1 $0x1;
	p0 =	seq.s32 s7, s2  }
0x1e: {  	s7 =	smul.u32 @!p0 $0xF7A, s2;
	p2 =	seq.s32 @!p0 s5, $0x0  }
0x1f: {  	s9 =	smul.u32 $0xF7A, s1;
	s8 =	simm.s32 @!p0 $0x1BF5;
	p2 =	por !p2, p0  }
0x20: {  	[sflag:s8] =	ssyncset.s32 @!p0 $0xFFFFF086;
	s6 =	sadd.s32 @!p0 s3, s7;
	s7 =	simm.s32 @!p0 $0x108  }
0x21: {  	s3 =	sadd.s32 s3, s9;
	s6 =	sadd.s32 @!p0 $0x88, s6;
	s7 =	simm.s32 @p2 $0x1082  }
0x22: {  	[simem:s7], [sflag:s8] =	dma.local @!p0 [hbm:s6], $0xF7A  }
0x23: {  	s9 =	sor.u32 $0xD0000000, s2;
	s6 =	simm.s32 $0x108;
	_ =	swait.ge @!p0 [sflag:s8], $0x0  }
0x24: {  	s3 =	sadd.s32 $0x88, s3;
	s6 =	simm.s32 @!p1 $0x1082;
	[sflag:s4] =	ssyncset.s32 $0xFFFFF086  }
0x25: {  	[simem:s6], [sflag:s4] =	dma.local [hbm:s3], $0xF7A  }
0x26: {  	[smem:$0x3FA0] =	sst s1;
	(tag) =	ssettag s2;
	_ =	strace s9  }
0x27: {  	s1 =	sld [smem:$0x3FB0]  }
0x28: {  	s2 =	sld [smem:$0x3FB1]  }
0x29: {  	s4 =	sld [smem:$0x3FB3]  }
0x2a: {  	p0 =	seq.s32 s5, $0x0;
	s5 =	sld [smem:$0x3FB4]  }
0x2b: {  	s6 =	sld [smem:$0x3FB5]  }
0x2c: {  	s7 =	sld [smem:$0x3FB6]  }
0x2d: {  	s3 =	simm.s32 $0x108;
	s8 =	sld [smem:$0x3FB7]  }
0x2e: {  	s3 =	simm.s32 @!p0 $0x1082;
	s9 =	sld [smem:$0x3FB8]  }
0x2f: {  	lr =	sadd.s32 s0, s3;
	s0 =	sld [smem:$0x3FAF]  }
0x30: {  	s3 =	sld [smem:$0x3FB2]  }
0x31: {  	[smem:$0x3FBB] =	sst s10  }
0x32: {  	s10 =	sld [smem:$0x3FB9];
	_ =	sdelay $0x3  }
0x33: {  	p0 =	seq.s32 s10, $0x1;
	s10 =	sld [smem:$0x3FBB];
	_ =	sdelay $0x3  }
0x34: {  	[smem:$0x3FBB] =	sst s10  }
0x35: {  	s10 =	sld [smem:$0x3FBA];
	_ =	sdelay $0x3  }
0x36: {  	p1 =	seq.s32 s10, $0x1;
	s10 =	sld [smem:$0x3FBB];
	_ =	sdelay $0x3  }
0x37: {  	[smem:$0x3FBB] =	sst s10  }
0x38: {  	s10 =	sld [smem:$0x3FBC]  }
0x39: {  	_ = 	snop;
	(pc) =	sbr.ind lr, $3  }
0x3a: {  	_ = 	snop  }
0x3b: {  	_ = 	snop  }
0x3c: {  	p2 =	seq.s32 s10, $0x1;
	s10 =	sld [smem:$0x3FBB]  }
0x3d: {  	_ =	shalt  }
0x3e: {  	_ =	shalt  }
0x3f: {  	_ =	shalt  }
0x40: {  	_ =	shalt  }
0x41: {  	_ =	shalt  }
0x42: {  	_ =	shalt  }
0x43: {  	_ =	shalt  }
0x44: {  	_ =	shalt  }
0x45: {  	_ =	shalt  }
0x46: {  	_ =	shalt  }
0x47: {  	_ =	shalt  }
0x48: {  	_ =	shalt  }
0x49: {  	_ =	shalt  }
0x4a: {  	_ =	shalt  }
0x4b: {  	_ =	shalt  }
0x4c: {  	_ =	shalt  }
0x4d: {  	_ =	shalt  }
0x4e: {  	_ =	shalt  }
0x4f: {  	_ =	shalt  }
0x50: {  	_ =	shalt  }
0x51: {  	_ =	shalt  }
0x52: {  	_ =	shalt  }
0x53: {  	_ =	shalt  }
0x54: {  	_ =	shalt  }
0x55: {  	_ =	shalt  }
0x56: {  	_ =	shalt  }
0x57: {  	_ =	shalt  }
0x58: {  	_ =	shalt  }
0x59: {  	_ =	shalt  }
0x5a: {  	_ =	shalt  }
0x5b: {  	_ =	shalt  }
0x5c: {  	_ =	shalt  }
0x5d: {  	_ =	shalt  }
0x5e: {  	_ =	shalt  }
0x5f: {  	_ =	shalt  }
0x60: {  	_ =	shalt  }
0x61: {  	_ =	shalt  }
0x62: {  	_ =	shalt  }
0x63: {  	_ =	shalt  }
0x64: {  	_ =	shalt  }
0x65: {  	_ =	shalt  }
0x66: {  	_ =	shalt  }
0x67: {  	_ =	shalt  }
0x68: {  	_ =	shalt  }
0x69: {  	_ =	shalt  }
0x6a: {  	_ =	shalt  }
0x6b: {  	_ =	shalt  }
0x6c: {  	_ =	shalt  }
0x6d: {  	_ =	shalt  }
0x6e: {  	_ =	shalt  }
0x6f: {  	_ =	shalt  }
0x70: {  	_ =	shalt  }
0x71: {  	_ =	shalt  }
0x72: {  	_ =	shalt  }
0x73: {  	_ =	shalt  }
0x74: {  	_ =	shalt  }
0x75: {  	_ =	shalt  }
0x76: {  	_ =	shalt  }
0x77: {  	_ =	shalt  }
0x78: {  	_ =	shalt  }
0x79: {  	_ =	shalt  }
0x7a: {  	_ =	shalt  }
0x7b: {  	_ =	shalt  }
0x7c: {  	_ =	shalt  }
0x7d: {  	_ =	shalt  }
0x7e: {  	_ =	shalt  }
0x7f: {  	_ =	shalt  }
0x80: {  	_ =	shalt  }
0x81: {  	_ =	shalt  }
0x82: {  	_ =	shalt  }
0x83: {  	_ =	shalt  }
0x84: {  	_ =	shalt  }
0x85: {  	_ =	shalt  }
0x86: {  	_ =	shalt  }
0x87: {  	_ =	shalt  }
.Lfunc_end0:
.L_simem_size_0:
called_computation_lowered:
.L_overlay_start_0:
0x88: {  	s0 =	sld [smem:$0x3FD9]  }
0x89: {  	s1 =	sld [smem:$0x3FFE];
	_ =	sdelay $0x3  }
0x8a: {  	s0 =	sadd.s32 s1, s0  }
0x8b: {  	[smem:$0x3FC7] =	sst s0  }
0x8c: {  	_ = 	snop  }
0x8d: {  	s0 =	sld [smem:$0x3FD0];
	_ =	sdelay $0x2  }
0x8e: {  	s2 =	simm.s32 $0xA;
	s3 =	simm.s32 $0x10;
	s14 =	sld [smem:$0x3FC9]  }
0x8f: {  	[smem:s3], [sflag:s2] =	dma.local [hbm:s0], $0x1  }
0x90: {  	_ =	swait.eq [sflag:s2], $0x1  }
0x91: {  	[sflag:s2] =	ssyncset.done $0x0  }
0x92: {  	s15 =	sld [smem:$0x10];
	[sflag:s2] =	ssyncadd.s32 $0xFFFFFFFF  }
0x93: {  	s16 =	sld [smem:$0x11];
	(tm) =	ssettm $0x1  }
0x94: {  	s17 =	sld [smem:$0x3FFB];
	_ =	sdelay $0x3  }
0x95: {  	_ =	strace s17  }
0x96: {  	s3 =	sld [smem:$0x3FFC];
	_ =	sdelay $0x3  }
0x97: {  	_ =	strace s3  }
0x98: {  	s3 =	sld [smem:$0x3FFD];
	_ =	sdelay $0x3  }
0x99: {  	_ =	strace s3  }
0x9a: {  	_ =	strace $0x8FFFFFFF  }
0x9b: {  	s18 =	sld [smem:$0x3FDB];
	_ =	sdelay $0x1  }
0x9c: {  	s4 =	simm.s32 $_scs_section_size  }
0x9d: {  	s5 =	simm.s32 $_size__tile_overlayer_lowered;
	s6 =	simm.s32 $_tile_overlayer_lowered  }
0x9e: {  	s21 =	simm.s32 $0x1BFF;
	s20 =	sshll.u32 s6, $0x1;
	s3 =	sadd.s32 s4, s18  }
0x9f: {  	s7 =	simm.s32 $0x0;
	s19 =	sshll.u32 s5, $0x1;
	s5 =	sadd.s32 s20, s3  }
0xa0: {  	[timem:s7], [sflag:s21] =	dma.local [hbm:s5], s19  }
0xa1: {  	_ =	swait.ge [sflag:s21], s19  }
0xa2: {  	s4 =	ssub.s32 $0x0, s19;
	[sflag:s21] =	ssyncset.done $0x0  }
0xa3: {  	[sflag:s21] =	ssyncadd.s32 s4;
	_ =	sdelay $0x1  }
0xa4: {  	s22 =	simm.s32 $0x1B8B  }
0xa5: {  	_ =	swait.ge [sflag:s22], $0x1  }
0xa6: {  	[sflag:s22] =	ssyncset.done $0x0  }
0xa7: {  	s23 =	simm.s32 $0x1B8E;
	[sflag:s22] =	ssyncadd.s32 $0xFFFFFFFF  }
0xa8: {  	s24 =	simm.s32 $execute0_lowered;
	[smem:$0x3FD2] =	sst s23  }
0xa9: {  	s4 =	sshll.u32 s24, $0x1;
	_ =	strace $0x80000046;
	[dreg:$0x1] =	wrdreg $0xFFFFFFFF  }
0xaa: {  	s25 =	simm.s32 $_size_execute0_lowered;
	s3 =	sadd.s32 s3, s4;
	[dreg:$0x0] =	wrdreg $0x0  }
0xab: {  	s4 =	sshll.u32 s25, $0x1;
	[dreg:$0x2] =	wrdreg s3  }
0xac: {  	[dreg:$0x3] =	wrdreg s4  }
0xad: {  	[dreg:$0x4] =	wrdreg $0xC0  }
0xae: {  	_ =	task [dreg:s7], $0x5FFFF  }
0xaf: {  	[dreg:$0x1] =	wrdreg $0xFFFFFFFF  }
0xb0: {  	[dreg:$0x0] =	wrdreg $0x60  }
0xb1: {  	[dreg:$0x2] =	wrdreg s14  }
0xb2: {  	[dreg:$0x3] =	wrdreg s15  }
0xb3: {  	[dreg:$0x4] =	wrdreg s16  }
0xb4: {  	[dreg:$0x5] =	wrdreg $0x9  }
0xb5: {  	_ =	task.clear_ibuf [dreg:s7], $0x6FFFF;
	_ =	strace $0x90000046  }
0xb6: {  	s26 =	simm.s32 $0x9;
	_ =	strace $0x80000048  }
0xb7: {  	_ =	swait.ge [sflag:s26], $0x1  }
0xb8: {  	[sflag:s26] =	ssyncadd.s32 $0xFFFFFFFF  }
0xb9: {  	_ =	strace $0x90000048  }
0xba: {  	_ =	sfence  }
0xbb: {  	s28 =	sld [smem:$0x0];
	_ =	sdelay $0x1  }
0xbc: {  	s29 =	srdreg.scid  }
0xbd: {  	s30 =	sshll.u32 s29, $0xD;
	s31 =	sshrl.u32 s29, $0x2  }
0xbe: {  	s1 =	sand.u32 $0x1, s29;
	s2 =	sand.u32 $0x4000, s30;
	s0 =	sadd.s32 s31, s28  }
0xbf: {  	s1 =	sor.u32 s2, s1;
	s0 =	sshll.u32 s0, $0x11  }
0xc0: {  	s0 =	sor.u32 s0, s1  }
0xc1: {  	s0 =	sadd.s32 $0x8F2B, s0  }
0xc2: {  	[sflag:s0] =	ssyncadd.remote.s32 $0x1  }
0xc3: {  	_ =	sfence.sel $0xFFFF  }
0xc4: {  	[dreg:$0x0] =	wrdreg $0xFFFFFFFF;
	(pc) =	sbr.abs _section_cstart, $3  }
0xc5: {  	[dreg:$0x1] =	wrdreg $0xFFFFFFFF  }
0xc6: {  	_ =	task.clear_ibuf [dreg:s7], $0x2FFFF;
	_ =	strace $0x9FFFFFFF  }
0xc7: {  	(tm) =	ssettm $0x7FFFFFFF  }
tec
execute0_lowered:
.L_overlay_start_1:
0x0: {  	(tag) =	ssettag $0x1  }
0x1: {  	s2 =	rddreg [dreg:$0x0]  }
0x2: {  	s3 =	rddreg [dreg:$0x1]  }
0x3: {  	s1 =	rddreg [dreg:$0x2];
	s4 =	simm.s32 $0x0  }
0x4: {  	[smem:$0x7FF] =	sst s4  }
0x5: {  	s0 =	rddreg [dreg:$0x3];
	s31 =	simm.s32 $0x1;
	_ =	strace $0x80000047  }
0x6: {  	[tilespmem:s4], [sflag:$0x1] =	stream.linear.gather [hbm4b:s2+s4], $0x80, $0x38;
	[tilespmem:$0x880] =	vst v63  }
0x7: {  	_ =	swait.ge [sflag:s31], $0x80  }
0x8: {  	[sflag:s31] =	ssyncset.done $0x0  }
0x9: {  	[sflag:s31] =	ssyncadd.s32 $0xFFFFFF80  }
0xa: {  	v0 =	vld [tilespmem:$0x0]  }
0xb: {  	v1 =	vld [tilespmem:$0x10];
	_ =	sdelay $0x2  }
0xc: {  	s5 =	simm.s32 $0x0;
	s2 =	stileid.u32;
	s4 =	simm.s32 $0x40  }
.LBB2_1:
0xd: {  	p0 =	sne.s32 s4, $0xFC0;
	[tilespmem:s5+$0x80] =	vst v0;
	s6 =	smov.u32 s4;
	s4 =	sadd.s32 $0x40, s4  }
.Ltmp0:
0xe: {  	[tilespmem:s5+$0x480] =	vst v1;
	(pc) =	sbr.rel @p0 .LBB2_1-.Ltmp0, $2  }
0xf: {  	_ =	sdelay $0x2  }
0x10: {  	s5 =	sshra.s32 s6, $0x2  }
0x11: {  	[tilespmem:s5+$0x80] =	vst v0;
	s4 =	sshll.u32 s2, $0x7;
	s29 =	simm.s32 $0x0  }
0x12: {  	[tilespmem:s5+$0x480] =	vst v1;
	s6 =	simm.s32 $0x80;
	s30 =	simm.s32 $0x1;
	s3 =	sadd.s32 s3, s4  }
0x13: {  	[hbm4b:s3+s29] =	stream.linear.scatter [tilespmem:s6], [sflag:$0x1], $0x400, $0x38;
	[tilespmem:$0x880] =	vst v63  }
0x14: {  	_ =	swait.ge [sflag:s30], $0x400  }
0x15: {  	[sflag:s30] =	ssyncset.done $0x0  }
0x16: {  	s31 =	simm.s32 $0x480;
	s1 =	sadd.s32 s1, s4;
	[sflag:s30] =	ssyncadd.s32 $0xFFFFFC00  }
0x17: {  	[hbm4b:s1+s29] =	stream.linear.scatter [tilespmem:s31], [sflag:$0x1], $0x400, $0x38;
	[tilespmem:$0x880] =	vst v63  }
0x18: {  	_ =	swait.ge [sflag:s30], $0x400  }
0x19: {  	[sflag:s30] =	ssyncset.done $0x0  }
0x1a: {  	[sflag:s30] =	ssyncadd.s32 $0xFFFFFC00  }
0x1b: {  	_ =	sfence.sel $0x180000  }
0x1c: {  	[bflag:$0x0] =	sbarrier.arrive $0xFFFF  }
0x1d: {  	p0 =	sne.s32 s2, $0x0;
	_ =	strace $0x90000047  }
0x1e: {  	s0 =	sadd.s32 @!p0 $0x100000, s0;
	[bflag:$0x2] =	sbarrier.arrive $0xFFFF  }
0x1f: {  	[sflag:s0] =	ssyncadd.tile.s32 @!p0 $0x1;
	_ =	shalt  }
.Lfunc_end2:
_tile_overlayer_lowered:
.L_overlay_start_2:
0x20: {  	(tag) =	ssettag $0x2  }
0x21: {  	s0 =	rddreg [dreg:$0x0];
	s2 =	stileid.u32  }
0x22: {  	s1 =	rddreg [dreg:$0x1];
	p0 =	sne.s32 s2, $0x0  }
0x23: {  	s3 =	rddreg [dreg:$0x2];
	[bflag:$0x3] =	sbarrier.arrive $0xFFFF;
	s2 =	simm.s32 @!p0 $0x1C01  }
0x24: {  	[timem:s3], [sflag:s2] =	dma.local @!p0 [hbm:s0], s1  }
0x25: {  	s0 =	simm.s32 @!p0 $0x1  }
0x26: {  	_ =	swait.ge @!p0 [sflag:s0], s1  }
0x27: {  	s1 =	ssub.s32 @!p0 $0x0, s1;
	[sflag:s0] =	ssyncset.done @!p0 $0x0  }
0x28: {  	[sflag:s0] =	ssyncadd.s32 @!p0 s1  }
0x29: {  	[bflag:$0x3] =	sbarrier.arrive $0xFFFF  }
0x2a: {  	_ =	shalt  }

</sc_bundles>
